<compile_context>
chip_gen: v7x
topology: tpu7x:2x2x1
jax: 0.10.2.dev20260603
libtpu: 0.0.44.dev20260713+nightly
codegen_flags: <defaults>
</compile_context>

<pallas_src>
import functools

import jax
import jax.numpy as jnp
from jax import lax
from jax.experimental import pallas as pl
from jax.experimental.pallas import tpu as pltpu
from jax.experimental.pallas import tpu_sc as plsc

EMBED = 64
PAIR = 2 * EMBED
NWORKERS = 32
J = 2


def _lut_body(struct_ref, group_ref, w_ref, b_ref, gamma_ref, beta_ref,
              lut2_ref):
    s = struct_ref[...]
    g = group_ref[...]
    g7 = jnp.concatenate(
        [g[0:1], g[0:1], g[0:1], g[1:2], g[1:2], g[2:3], g[2:3]], axis=0)
    comb = jnp.concatenate([s, g7], axis=1)
    out = jnp.dot(comb, w_ref[...], preferred_element_type=jnp.float32)
    out = out + b_ref[...]
    mean = jnp.mean(out, axis=1, keepdims=True)
    var = jnp.mean((out - mean) ** 2, axis=1, keepdims=True)
    out = (out - mean) * lax.rsqrt(var + 1e-5)
    lut = out * gamma_ref[...] + beta_ref[...]
    r = lax.broadcasted_iota(jnp.int32, (49, 7), 0)
    j = lax.broadcasted_iota(jnp.int32, (49, 7), 1)
    ea = (r // 7 == j).astype(jnp.float32)
    eb = (r % 7 == j).astype(jnp.float32)
    left = jnp.dot(ea, lut, preferred_element_type=jnp.float32)
    right = jnp.dot(eb, lut, preferred_element_type=jnp.float32)
    lut2_ref[...] = jnp.concatenate([left, right], axis=1)


def _make_lut2(struct_table, group_table, W_fusion, b_fusion, gamma, beta):
    return pl.pallas_call(
        _lut_body,
        out_shape=jax.ShapeDtypeStruct((49, PAIR), jnp.float32),
    )(struct_table, group_table, W_fusion,
      b_fusion.reshape(1, EMBED), gamma.reshape(1, EMBED),
      beta.reshape(1, EMBED))


def _pack_body(idx_ref, sel_ref, cidx_ref):
    idxf = idx_ref[...].astype(jnp.float32)
    c = jnp.dot(idxf, sel_ref[...], preferred_element_type=jnp.float32)
    cidx_ref[...] = c.astype(jnp.int32)


def _pack_indices(idx):
    B, L = idx.shape
    half = L // 2
    i = lax.broadcasted_iota(jnp.int32, (L, half), 0)
    k = lax.broadcasted_iota(jnp.int32, (L, half), 1)
    sel = (7 * (i == 2 * k) + (i == 2 * k + 1)).astype(jnp.float32)
    blk = 1024
    return pl.pallas_call(
        _pack_body,
        grid=(B // blk,),
        in_specs=[
            pl.BlockSpec((blk, L), lambda b: (b, 0)),
            pl.BlockSpec((L, half), lambda b: (0, 0)),
        ],
        out_specs=pl.BlockSpec((blk, half), lambda b: (b, 0)),
        out_shape=jax.ShapeDtypeStruct((B, half), jnp.int32),
    )(idx, sel)


def _sc_lookup(lut2, cidx, L):
    B, half = cidx.shape
    per_w = B // NWORKERS
    steps = per_w // (2 * J)
    mesh = plsc.VectorSubcoreMesh(core_axis_name="c", subcore_axis_name="s")

    @functools.partial(
        pl.kernel,
        mesh=mesh,
        out_type=jax.ShapeDtypeStruct((B, half, PAIR), jnp.float32),
        scratch_types=[
            pltpu.VMEM((per_w, half), jnp.int32),
            pltpu.VMEM((J, half, PAIR), jnp.float32),
            pltpu.VMEM((J, half, PAIR), jnp.float32),
            pltpu.VMEM_SHARED((49, PAIR), jnp.float32),
            pltpu.SemaphoreType.DMA,
            pltpu.SemaphoreType.DMA,
            pltpu.SemaphoreType.DMA,
            pltpu.SemaphoreType.DMA,
        ],
    )
    def k(lut_hbm, cidx_hbm, out_hbm, cidx_all, buf0, buf1, lut_sh,
          sem0, sem1, ssem0, ssem1):
        sid = lax.axis_index("s")
        wid = sid * 2 + lax.axis_index("c")
        base = wid * per_w
        bufs = (buf0, buf1)
        sems = (sem0, sem1)
        ssems = (ssem0, ssem1)

        @pl.when(sid == 0)
        def _():
            pltpu.sync_copy(lut_hbm, lut_sh)

        pltpu.sync_copy(cidx_hbm.at[pl.ds(base, per_w)], cidx_all)
        plsc.subcore_barrier()

        def gather(b, c):
            for j in range(J):
                pltpu.async_copy(
                    lut_sh.at[cidx_all.at[c * J + j]], bufs[b].at[j], sems[b])

        def drain(b):
            for j in range(J):
                pltpu.make_async_copy(
                    lut_sh.at[cidx_all.at[j]], bufs[b].at[j], sems[b]).wait()

        def store(b, c):
            pltpu.async_copy(bufs[b], out_hbm.at[pl.ds(base + c * J, J)],
                             ssems[b])

        def wait_store(b):
            pltpu.make_async_copy(bufs[b], out_hbm.at[pl.ds(base, J)],
                                  ssems[b]).wait()

        gather(0, 0)

        def step(t, _):
            c0 = 2 * t
            drain(0)
            store(0, c0)

            @pl.when(t > 0)
            def _():
                wait_store(1)

            gather(1, c0 + 1)
            drain(1)
            store(1, c0 + 1)
            wait_store(0)

            @pl.when(t < steps - 1)
            def _():
                gather(0, c0 + 2)

            return 0

        lax.fori_loop(0, steps, step, 0)
        wait_store(1)

    return k(lut2, cidx)


def kernel(structure_indices, struct_table, group_table, W_fusion, b_fusion,
           gamma, beta):
    B, L = structure_indices.shape
    lut2 = _make_lut2(struct_table, group_table, W_fusion, b_fusion, gamma,
                      beta)
    cidx = _pack_indices(structure_indices)
    out = _sc_lookup(lut2, cidx, L)
    return out.reshape(B, L, EMBED)

# --- scband reference (transcript-rebuilt; emitter-appended) ---
"""Pipeline reference for scband-seven-adic-secondary-structure-encoder-86526411145787 (READ-ONLY COPY).

The authoritative reference and input builder live on the scoring server;
editing this copy changes nothing except your own understanding.
"""

import jax, jax.numpy as jnp
import numpy as np

EMBED_DIM = 64
GROUP_DIM = EMBED_DIM // 2
B, L = 16384, 200


def setup_inputs(seed: int = 0) -> dict:
    key = jax.random.key(seed)
    k1, k2, k3, k4 = jax.random.split(key, 4)
    structure_indices = jax.random.randint(k1, (B, L), 0, 7, dtype=jnp.int32)
    # learned params (mirroring _initialize_7adic loosely: small-scale init)
    struct_table = jax.random.normal(k2, (7, EMBED_DIM), dtype=jnp.float32) * 0.1
    group_table = jax.random.normal(k3, (3, GROUP_DIM), dtype=jnp.float32) * 0.1
    W_fusion = jax.random.normal(k4, (EMBED_DIM + GROUP_DIM, EMBED_DIM), dtype=jnp.float32) * (1.0 / np.sqrt(EMBED_DIM + GROUP_DIM))
    b_fusion = jnp.zeros((EMBED_DIM,), dtype=jnp.float32)
    gamma = jnp.ones((EMBED_DIM,), dtype=jnp.float32)
    beta = jnp.zeros((EMBED_DIM,), dtype=jnp.float32)
    return {
        "structure_indices": structure_indices,
        "struct_table": struct_table,
        "group_table": group_table,
        "W_fusion": W_fusion,
        "b_fusion": b_fusion,
        "gamma": gamma,
        "beta": beta,
    }


def reference(structure_indices, struct_table, group_table, W_fusion, b_fusion, gamma, beta):
    s2g = jnp.array([0, 0, 0, 1, 1, 2, 2], dtype=jnp.int32)
    groups = jnp.take(s2g, structure_indices, axis=0)
    struct_embed = jnp.take(struct_table, structure_indices, axis=0)
    group_embed = jnp.take(group_table, groups, axis=0)
    combined = jnp.concatenate([struct_embed, group_embed], axis=-1)
    out = combined @ W_fusion + b_fusion
    mean = jnp.mean(out, axis=-1, keepdims=True)
    var = jnp.var(out, axis=-1, keepdims=True)
    out = (out - mean) / jnp.sqrt(var + 1e-5) * gamma + beta
    return out

if __name__ == "__main__":
    import jax
    _d = setup_inputs()
    print(jax.jit(kernel)(*tuple(_d.values())))

</pallas_src>

<mosaic_0001>
#map = affine_map<(d0, d1) -> (0, 0)>
#map1 = affine_map<(d0, d1) -> (0, 0, 0)>
module attributes {stable_mosaic.version = 14 : i64} {
  func.func @k(%arg0: i32, %arg1: i32, %arg2: memref<49x128xf32, #tpu.memory_space<hbm>>, %arg3: memref<16384x100xi32, #tpu.memory_space<hbm>>, %arg4: memref<16384x100x128xf32, #tpu.memory_space<hbm>>, %arg5: memref<512x100xi32, #tpu.memory_space<vmem>>, %arg6: memref<2x100x128xf32, #tpu.memory_space<vmem>>, %arg7: memref<2x100x128xf32, #tpu.memory_space<vmem>>, %arg8: memref<49x128xf32, #tpu.memory_space<vmem_shared>>, %arg9: memref<!tpu.dma_semaphore, #tpu.memory_space<semaphore_mem>>, %arg10: memref<!tpu.dma_semaphore, #tpu.memory_space<semaphore_mem>>, %arg11: memref<!tpu.dma_semaphore, #tpu.memory_space<semaphore_mem>>, %arg12: memref<!tpu.dma_semaphore, #tpu.memory_space<semaphore_mem>>) attributes {dimension_semantics = [#tpu.dimension_semantics<core_parallel>, #tpu.dimension_semantics<subcore_parallel>], iteration_bounds = array<i64: 2, 16>, scalar_prefetch = 0 : i64, scratch_operands = 8 : i64, tpu.core_type = #tpu.core_type<sc_vector_subcore>, window_params = [{transform_indices = #map}, {transform_indices = #map}, {transform_indices = #map1}]} {
    %mul3A = arith.constant 2 : i32
    %mul3A_0 = arith.muli %arg1, %mul3A : i32
    %add3A = arith.addi %mul3A_0, %arg0 : i32
    %mul3A_1 = arith.constant 512 : i32
    %mul3A_2 = arith.muli %add3A, %mul3A_1 : i32
    %eq3A = arith.constant 0 : i32
    %eq3A_3 = arith.cmpi eq, %arg1, %eq3A : i32
    %convert_element_type3A = arith.extui %eq3A_3 : i1 to i32
    %cond3A = arith.constant 0 : i32
    %cond3A_4 = arith.cmpi ne, %convert_element_type3A, %cond3A : i32
    scf.if %cond3A_4 {
      "tpu.region"() ({
        %run_scoped3A = tpu.sem_alloc : memref<!tpu.dma_semaphore, #tpu.memory_space<semaphore_mem>>
        tpu.enqueue_dma source(%arg2 : memref<49x128xf32, #tpu.memory_space<hbm>>) target(%arg8 : memref<49x128xf32, #tpu.memory_space<vmem_shared>>) target_semaphore(%run_scoped3A : memref<!tpu.dma_semaphore, #tpu.memory_space<semaphore_mem>>)
        tpu.wait_dma2 semaphore(%run_scoped3A : memref<!tpu.dma_semaphore, #tpu.memory_space<semaphore_mem>>) src(%arg2 : memref<49x128xf32, #tpu.memory_space<hbm>>) dst(%arg8 : memref<49x128xf32, #tpu.memory_space<vmem_shared>>)
        tpu.yield
      }) : () -> ()
    } else {
    }
    "tpu.region"() ({
      %run_scoped3A = tpu.sem_alloc : memref<!tpu.dma_semaphore, #tpu.memory_space<semaphore_mem>>
      %dma_start3A_39 = arith.constant 0 : i32
      %dma_start3A_40 = tpu.memref_slice %arg3[%mul3A_2, %dma_start3A_39] : memref<16384x100xi32, #tpu.memory_space<hbm>> -> memref<512x100xi32, #tpu.memory_space<hbm>>
      %dma_start3A_41 = arith.constant 0 : i32
      %dma_start3A_42 = tpu.memref_slice %arg3[%mul3A_2, %dma_start3A_41] : memref<16384x100xi32, #tpu.memory_space<hbm>> -> memref<512x100xi32, #tpu.memory_space<hbm>>
      tpu.enqueue_dma source(%dma_start3A_42 : memref<512x100xi32, #tpu.memory_space<hbm>>) target(%arg5 : memref<512x100xi32, #tpu.memory_space<vmem>>) target_semaphore(%run_scoped3A : memref<!tpu.dma_semaphore, #tpu.memory_space<semaphore_mem>>)
      %dma_wait3A_43 = arith.constant 0 : i32
      %dma_wait3A_44 = tpu.memref_slice %arg3[%mul3A_2, %dma_wait3A_43] : memref<16384x100xi32, #tpu.memory_space<hbm>> -> memref<512x100xi32, #tpu.memory_space<hbm>>
      %dma_wait3A_45 = arith.constant 0 : i32
      %dma_wait3A_46 = tpu.memref_slice %arg3[%mul3A_2, %dma_wait3A_45] : memref<16384x100xi32, #tpu.memory_space<hbm>> -> memref<512x100xi32, #tpu.memory_space<hbm>>
      tpu.wait_dma2 semaphore(%run_scoped3A : memref<!tpu.dma_semaphore, #tpu.memory_space<semaphore_mem>>) src(%dma_wait3A_46 : memref<512x100xi32, #tpu.memory_space<hbm>>) dst(%arg5 : memref<512x100xi32, #tpu.memory_space<vmem>>)
      tpu.yield
    }) : () -> ()
    %barrier3A = arith.constant 0 : index
    tpu.barrier barrier_id(%barrier3A)
    %dma_start3A = arith.constant 0 : i32
    %dma_start3A_5 = arith.constant 0 : i32
    %dma_start3A_6 = arith.constant 0 : i32
    %dma_start3A_7 = arith.constant 0 : i32
    %dma_start3A_8 = tpu.memref_slice %arg6[%dma_start3A_5, %dma_start3A_6, %dma_start3A_7] : memref<2x100x128xf32, #tpu.memory_space<vmem>> -> memref<1x100x128xf32, #tpu.memory_space<vmem>>
    %dma_start3A_9 = tpu.memref_squeeze %dma_start3A_8 : memref<1x100x128xf32, #tpu.memory_space<vmem>> -> memref<100x128xf32, #tpu.memory_space<vmem>>
    %dma_start3A_10 = arith.constant 0 : i32
    %dma_start3A_11 = tpu.memref_slice %arg5[%dma_start3A, %dma_start3A_10] : memref<512x100xi32, #tpu.memory_space<vmem>> -> memref<1x100xi32, #tpu.memory_space<vmem>>
    %dma_start3A_12 = tpu.memref_squeeze %dma_start3A_11 : memref<1x100xi32, #tpu.memory_space<vmem>> -> memref<100xi32, #tpu.memory_space<vmem>>
    %dma_start3A_13 = arith.constant 0 : i32
    %dma_start3A_14 = arith.constant 0 : i32
    %dma_start3A_15 = tpu.memref_slice %arg8[%dma_start3A_13, %dma_start3A_14] : memref<49x128xf32, #tpu.memory_space<vmem_shared>> -> memref<49x128xf32, #tpu.memory_space<vmem_shared>>
    tpu.enqueue_indirect_dma source(%dma_start3A_15 : memref<49x128xf32, #tpu.memory_space<vmem_shared>>) target(%dma_start3A_9 : memref<100x128xf32, #tpu.memory_space<vmem>>) offsets(%dma_start3A_12 : memref<100xi32, #tpu.memory_space<vmem>>) semaphore(%arg9 : memref<!tpu.dma_semaphore, #tpu.memory_space<semaphore_mem>>)
    %dma_start3A_16 = arith.constant 1 : i32
    %dma_start3A_17 = arith.constant 1 : i32
    %dma_start3A_18 = arith.constant 0 : i32
    %dma_start3A_19 = arith.constant 0 : i32
    %dma_start3A_20 = tpu.memref_slice %arg6[%dma_start3A_17, %dma_start3A_18, %dma_start3A_19] : memref<2x100x128xf32, #tpu.memory_space<vmem>> -> memref<1x100x128xf32, #tpu.memory_space<vmem>>
    %dma_start3A_21 = tpu.memref_squeeze %dma_start3A_20 : memref<1x100x128xf32, #tpu.memory_space<vmem>> -> memref<100x128xf32, #tpu.memory_space<vmem>>
    %dma_start3A_22 = arith.constant 0 : i32
    %dma_start3A_23 = tpu.memref_slice %arg5[%dma_start3A_16, %dma_start3A_22] : memref<512x100xi32, #tpu.memory_space<vmem>> -> memref<1x100xi32, #tpu.memory_space<vmem>>
    %dma_start3A_24 = tpu.memref_squeeze %dma_start3A_23 : memref<1x100xi32, #tpu.memory_space<vmem>> -> memref<100xi32, #tpu.memory_space<vmem>>
    %dma_start3A_25 = arith.constant 0 : i32
    %dma_start3A_26 = arith.constant 0 : i32
    %dma_start3A_27 = tpu.memref_slice %arg8[%dma_start3A_25, %dma_start3A_26] : memref<49x128xf32, #tpu.memory_space<vmem_shared>> -> memref<49x128xf32, #tpu.memory_space<vmem_shared>>
    tpu.enqueue_indirect_dma source(%dma_start3A_27 : memref<49x128xf32, #tpu.memory_space<vmem_shared>>) target(%dma_start3A_21 : memref<100x128xf32, #tpu.memory_space<vmem>>) offsets(%dma_start3A_24 : memref<100xi32, #tpu.memory_space<vmem>>) semaphore(%arg9 : memref<!tpu.dma_semaphore, #tpu.memory_space<semaphore_mem>>)
    %scan3A = arith.constant 0 : i32
    %scan3A_28 = arith.constant 0 : i32
    %scan3A_29 = arith.constant 128 : i32
    %scan3A_30 = arith.addi %scan3A_28, %scan3A_29 : i32
    %scan3A_31 = arith.constant 1 : i32
    %scan3A_32 = scf.for %scan3A_39 = %scan3A_28 to %scan3A_30 step %scan3A_31 iter_args(%scan3A_40 = %scan3A) -> (i32)  : i32 {
      %mul3A_41 = arith.constant 2 : i32
      %mul3A_42 = arith.muli %mul3A_41, %scan3A_39 : i32
      %dma_wait3A_43 = arith.constant 0 : i32
      %dma_wait3A_44 = arith.constant 0 : i32
      %dma_wait3A_45 = arith.constant 0 : i32
      %dma_wait3A_46 = arith.constant 0 : i32
      %dma_wait3A_47 = tpu.memref_slice %arg6[%dma_wait3A_44, %dma_wait3A_45, %dma_wait3A_46] : memref<2x100x128xf32, #tpu.memory_space<vmem>> -> memref<1x100x128xf32, #tpu.memory_space<vmem>>
      %dma_wait3A_48 = tpu.memref_squeeze %dma_wait3A_47 : memref<1x100x128xf32, #tpu.memory_space<vmem>> -> memref<100x128xf32, #tpu.memory_space<vmem>>
      %dma_wait3A_49 = arith.constant 0 : i32
      %dma_wait3A_50 = tpu.memref_slice %arg5[%dma_wait3A_43, %dma_wait3A_49] : memref<512x100xi32, #tpu.memory_space<vmem>> -> memref<1x100xi32, #tpu.memory_space<vmem>>
      %dma_wait3A_51 = tpu.memref_squeeze %dma_wait3A_50 : memref<1x100xi32, #tpu.memory_space<vmem>> -> memref<100xi32, #tpu.memory_space<vmem>>
      %dma_wait3A_52 = arith.constant 0 : i32
      %dma_wait3A_53 = arith.constant 0 : i32
      %dma_wait3A_54 = tpu.memref_slice %arg8[%dma_wait3A_52, %dma_wait3A_53] : memref<49x128xf32, #tpu.memory_space<vmem_shared>> -> memref<49x128xf32, #tpu.memory_space<vmem_shared>>
      tpu.wait_indirect_dma semaphore(%arg9 : memref<!tpu.dma_semaphore, #tpu.memory_space<semaphore_mem>>) src(%dma_wait3A_54 : memref<49x128xf32, #tpu.memory_space<vmem_shared>>) dst(%dma_wait3A_48 : memref<100x128xf32, #tpu.memory_space<vmem>>)
      %dma_wait3A_55 = arith.constant 1 : i32
      %dma_wait3A_56 = arith.constant 1 : i32
      %dma_wait3A_57 = arith.constant 0 : i32
      %dma_wait3A_58 = arith.constant 0 : i32
      %dma_wait3A_59 = tpu.memref_slice %arg6[%dma_wait3A_56, %dma_wait3A_57, %dma_wait3A_58] : memref<2x100x128xf32, #tpu.memory_space<vmem>> -> memref<1x100x128xf32, #tpu.memory_space<vmem>>
      %dma_wait3A_60 = tpu.memref_squeeze %dma_wait3A_59 : memref<1x100x128xf32, #tpu.memory_space<vmem>> -> memref<100x128xf32, #tpu.memory_space<vmem>>
      %dma_wait3A_61 = arith.constant 0 : i32
      %dma_wait3A_62 = tpu.memref_slice %arg5[%dma_wait3A_55, %dma_wait3A_61] : memref<512x100xi32, #tpu.memory_space<vmem>> -> memref<1x100xi32, #tpu.memory_space<vmem>>
      %dma_wait3A_63 = tpu.memref_squeeze %dma_wait3A_62 : memref<1x100xi32, #tpu.memory_space<vmem>> -> memref<100xi32, #tpu.memory_space<vmem>>
      %dma_wait3A_64 = arith.constant 0 : i32
      %dma_wait3A_65 = arith.constant 0 : i32
      %dma_wait3A_66 = tpu.memref_slice %arg8[%dma_wait3A_64, %dma_wait3A_65] : memref<49x128xf32, #tpu.memory_space<vmem_shared>> -> memref<49x128xf32, #tpu.memory_space<vmem_shared>>
      tpu.wait_indirect_dma semaphore(%arg9 : memref<!tpu.dma_semaphore, #tpu.memory_space<semaphore_mem>>) src(%dma_wait3A_66 : memref<49x128xf32, #tpu.memory_space<vmem_shared>>) dst(%dma_wait3A_60 : memref<100x128xf32, #tpu.memory_space<vmem>>)
      %mul3A_67 = arith.constant 2 : i32
      %mul3A_68 = arith.muli %mul3A_42, %mul3A_67 : i32
      %add3A_69 = arith.addi %mul3A_2, %mul3A_68 : i32
      %dma_start3A_70 = arith.constant 0 : i32
      %dma_start3A_71 = arith.constant 0 : i32
      %dma_start3A_72 = tpu.memref_slice %arg4[%add3A_69, %dma_start3A_70, %dma_start3A_71] : memref<16384x100x128xf32, #tpu.memory_space<hbm>> -> memref<2x100x128xf32, #tpu.memory_space<hbm>>
      %dma_start3A_73 = arith.constant 0 : i32
      %dma_start3A_74 = arith.constant 0 : i32
      %dma_start3A_75 = tpu.memref_slice %arg4[%add3A_69, %dma_start3A_73, %dma_start3A_74] : memref<16384x100x128xf32, #tpu.memory_space<hbm>> -> memref<2x100x128xf32, #tpu.memory_space<hbm>>
      tpu.enqueue_dma source(%arg6 : memref<2x100x128xf32, #tpu.memory_space<vmem>>) target(%dma_start3A_75 : memref<2x100x128xf32, #tpu.memory_space<hbm>>) target_semaphore(%arg11 : memref<!tpu.dma_semaphore, #tpu.memory_space<semaphore_mem>>)
      %gt3A = arith.constant 0 : i32
      %gt3A_76 = arith.cmpi sgt, %scan3A_39, %gt3A : i32
      %convert_element_type3A_77 = arith.extui %gt3A_76 : i1 to i32
      %cond3A_78 = arith.constant 0 : i32
      %cond3A_79 = arith.cmpi ne, %convert_element_type3A_77, %cond3A_78 : i32
      scf.if %cond3A_79 {
        %dma_wait3A_158 = arith.constant 0 : i32
        %dma_wait3A_159 = arith.constant 0 : i32
        %dma_wait3A_160 = tpu.memref_slice %arg4[%mul3A_2, %dma_wait3A_158, %dma_wait3A_159] : memref<16384x100x128xf32, #tpu.memory_space<hbm>> -> memref<2x100x128xf32, #tpu.memory_space<hbm>>
        %dma_wait3A_161 = arith.constant 0 : i32
        %dma_wait3A_162 = arith.constant 0 : i32
        %dma_wait3A_163 = tpu.memref_slice %arg4[%mul3A_2, %dma_wait3A_161, %dma_wait3A_162] : memref<16384x100x128xf32, #tpu.memory_space<hbm>> -> memref<2x100x128xf32, #tpu.memory_space<hbm>>
        tpu.wait_dma2 semaphore(%arg12 : memref<!tpu.dma_semaphore, #tpu.memory_space<semaphore_mem>>) src(%arg7 : memref<2x100x128xf32, #tpu.memory_space<vmem>>) dst(%dma_wait3A_163 : memref<2x100x128xf32, #tpu.memory_space<hbm>>)
      } else {
      }
      %add3A_80 = arith.constant 1 : i32
      %add3A_81 = arith.addi %mul3A_42, %add3A_80 : i32
      %mul3A_82 = arith.constant 2 : i32
      %mul3A_83 = arith.muli %add3A_81, %mul3A_82 : i32
      %add3A_84 = arith.constant 0 : i32
      %add3A_85 = arith.addi %mul3A_83, %add3A_84 : i32
      %dma_start3A_86 = arith.constant 0 : i32
      %dma_start3A_87 = arith.constant 0 : i32
      %dma_start3A_88 = arith.constant 0 : i32
      %dma_start3A_89 = tpu.memref_slice %arg7[%dma_start3A_86, %dma_start3A_87, %dma_start3A_88] : memref<2x100x128xf32, #tpu.memory_space<vmem>> -> memref<1x100x128xf32, #tpu.memory_space<vmem>>
      %dma_start3A_90 = tpu.memref_squeeze %dma_start3A_89 : memref<1x100x128xf32, #tpu.memory_space<vmem>> -> memref<100x128xf32, #tpu.memory_space<vmem>>
      %dma_start3A_91 = arith.constant 0 : i32
      %dma_start3A_92 = tpu.memref_slice %arg5[%add3A_85, %dma_start3A_91] : memref<512x100xi32, #tpu.memory_space<vmem>> -> memref<1x100xi32, #tpu.memory_space<vmem>>
      %dma_start3A_93 = tpu.memref_squeeze %dma_start3A_92 : memref<1x100xi32, #tpu.memory_space<vmem>> -> memref<100xi32, #tpu.memory_space<vmem>>
      %dma_start3A_94 = arith.constant 0 : i32
      %dma_start3A_95 = arith.constant 0 : i32
      %dma_start3A_96 = tpu.memref_slice %arg8[%dma_start3A_94, %dma_start3A_95] : memref<49x128xf32, #tpu.memory_space<vmem_shared>> -> memref<49x128xf32, #tpu.memory_space<vmem_shared>>
      tpu.enqueue_indirect_dma source(%dma_start3A_96 : memref<49x128xf32, #tpu.memory_space<vmem_shared>>) target(%dma_start3A_90 : memref<100x128xf32, #tpu.memory_space<vmem>>) offsets(%dma_start3A_93 : memref<100xi32, #tpu.memory_space<vmem>>) semaphore(%arg10 : memref<!tpu.dma_semaphore, #tpu.memory_space<semaphore_mem>>)
      %mul3A_97 = arith.constant 2 : i32
      %mul3A_98 = arith.muli %add3A_81, %mul3A_97 : i32
      %add3A_99 = arith.constant 1 : i32
      %add3A_100 = arith.addi %mul3A_98, %add3A_99 : i32
      %dma_start3A_101 = arith.constant 1 : i32
      %dma_start3A_102 = arith.constant 0 : i32
      %dma_start3A_103 = arith.constant 0 : i32
      %dma_start3A_104 = tpu.memref_slice %arg7[%dma_start3A_101, %dma_start3A_102, %dma_start3A_103] : memref<2x100x128xf32, #tpu.memory_space<vmem>> -> memref<1x100x128xf32, #tpu.memory_space<vmem>>
      %dma_start3A_105 = tpu.memref_squeeze %dma_start3A_104 : memref<1x100x128xf32, #tpu.memory_space<vmem>> -> memref<100x128xf32, #tpu.memory_space<vmem>>
      %dma_start3A_106 = arith.constant 0 : i32
      %dma_start3A_107 = tpu.memref_slice %arg5[%add3A_100, %dma_start3A_106] : memref<512x100xi32, #tpu.memory_space<vmem>> -> memref<1x100xi32, #tpu.memory_space<vmem>>
      %dma_start3A_108 = tpu.memref_squeeze %dma_start3A_107 : memref<1x100xi32, #tpu.memory_space<vmem>> -> memref<100xi32, #tpu.memory_space<vmem>>
      %dma_start3A_109 = arith.constant 0 : i32
      %dma_start3A_110 = arith.constant 0 : i32
      %dma_start3A_111 = tpu.memref_slice %arg8[%dma_start3A_109, %dma_start3A_110] : memref<49x128xf32, #tpu.memory_space<vmem_shared>> -> memref<49x128xf32, #tpu.memory_space<vmem_shared>>
      tpu.enqueue_indirect_dma source(%dma_start3A_111 : memref<49x128xf32, #tpu.memory_space<vmem_shared>>) target(%dma_start3A_105 : memref<100x128xf32, #tpu.memory_space<vmem>>) offsets(%dma_start3A_108 : memref<100xi32, #tpu.memory_space<vmem>>) semaphore(%arg10 : memref<!tpu.dma_semaphore, #tpu.memory_space<semaphore_mem>>)
      %dma_wait3A_112 = arith.constant 0 : i32
      %dma_wait3A_113 = arith.constant 0 : i32
      %dma_wait3A_114 = arith.constant 0 : i32
      %dma_wait3A_115 = arith.constant 0 : i32
      %dma_wait3A_116 = tpu.memref_slice %arg7[%dma_wait3A_113, %dma_wait3A_114, %dma_wait3A_115] : memref<2x100x128xf32, #tpu.memory_space<vmem>> -> memref<1x100x128xf32, #tpu.memory_space<vmem>>
      %dma_wait3A_117 = tpu.memref_squeeze %dma_wait3A_116 : memref<1x100x128xf32, #tpu.memory_space<vmem>> -> memref<100x128xf32, #tpu.memory_space<vmem>>
      %dma_wait3A_118 = arith.constant 0 : i32
      %dma_wait3A_119 = tpu.memref_slice %arg5[%dma_wait3A_112, %dma_wait3A_118] : memref<512x100xi32, #tpu.memory_space<vmem>> -> memref<1x100xi32, #tpu.memory_space<vmem>>
      %dma_wait3A_120 = tpu.memref_squeeze %dma_wait3A_119 : memref<1x100xi32, #tpu.memory_space<vmem>> -> memref<100xi32, #tpu.memory_space<vmem>>
      %dma_wait3A_121 = arith.constant 0 : i32
      %dma_wait3A_122 = arith.constant 0 : i32
      %dma_wait3A_123 = tpu.memref_slice %arg8[%dma_wait3A_121, %dma_wait3A_122] : memref<49x128xf32, #tpu.memory_space<vmem_shared>> -> memref<49x128xf32, #tpu.memory_space<vmem_shared>>
      tpu.wait_indirect_dma semaphore(%arg10 : memref<!tpu.dma_semaphore, #tpu.memory_space<semaphore_mem>>) src(%dma_wait3A_123 : memref<49x128xf32, #tpu.memory_space<vmem_shared>>) dst(%dma_wait3A_117 : memref<100x128xf32, #tpu.memory_space<vmem>>)
      %dma_wait3A_124 = arith.constant 1 : i32
      %dma_wait3A_125 = arith.constant 1 : i32
      %dma_wait3A_126 = arith.constant 0 : i32
      %dma_wait3A_127 = arith.constant 0 : i32
      %dma_wait3A_128 = tpu.memref_slice %arg7[%dma_wait3A_125, %dma_wait3A_126, %dma_wait3A_127] : memref<2x100x128xf32, #tpu.memory_space<vmem>> -> memref<1x100x128xf32, #tpu.memory_space<vmem>>
      %dma_wait3A_129 = tpu.memref_squeeze %dma_wait3A_128 : memref<1x100x128xf32, #tpu.memory_space<vmem>> -> memref<100x128xf32, #tpu.memory_space<vmem>>
      %dma_wait3A_130 = arith.constant 0 : i32
      %dma_wait3A_131 = tpu.memref_slice %arg5[%dma_wait3A_124, %dma_wait3A_130] : memref<512x100xi32, #tpu.memory_space<vmem>> -> memref<1x100xi32, #tpu.memory_space<vmem>>
      %dma_wait3A_132 = tpu.memref_squeeze %dma_wait3A_131 : memref<1x100xi32, #tpu.memory_space<vmem>> -> memref<100xi32, #tpu.memory_space<vmem>>
      %dma_wait3A_133 = arith.constant 0 : i32
      %dma_wait3A_134 = arith.constant 0 : i32
      %dma_wait3A_135 = tpu.memref_slice %arg8[%dma_wait3A_133, %dma_wait3A_134] : memref<49x128xf32, #tpu.memory_space<vmem_shared>> -> memref<49x128xf32, #tpu.memory_space<vmem_shared>>
      tpu.wait_indirect_dma semaphore(%arg10 : memref<!tpu.dma_semaphore, #tpu.memory_space<semaphore_mem>>) src(%dma_wait3A_135 : memref<49x128xf32, #tpu.memory_space<vmem_shared>>) dst(%dma_wait3A_129 : memref<100x128xf32, #tpu.memory_space<vmem>>)
      %add3A_136 = arith.constant 1 : i32
      %add3A_137 = arith.addi %mul3A_42, %add3A_136 : i32
      %mul3A_138 = arith.constant 2 : i32
      %mul3A_139 = arith.muli %add3A_137, %mul3A_138 : i32
      %add3A_140 = arith.addi %mul3A_2, %mul3A_139 : i32
      %dma_start3A_141 = arith.constant 0 : i32
      %dma_start3A_142 = arith.constant 0 : i32
      %dma_start3A_143 = tpu.memref_slice %arg4[%add3A_140, %dma_start3A_141, %dma_start3A_142] : memref<16384x100x128xf32, #tpu.memory_space<hbm>> -> memref<2x100x128xf32, #tpu.memory_space<hbm>>
      %dma_start3A_144 = arith.constant 0 : i32
      %dma_start3A_145 = arith.constant 0 : i32
      %dma_start3A_146 = tpu.memref_slice %arg4[%add3A_140, %dma_start3A_144, %dma_start3A_145] : memref<16384x100x128xf32, #tpu.memory_space<hbm>> -> memref<2x100x128xf32, #tpu.memory_space<hbm>>
      tpu.enqueue_dma source(%arg7 : memref<2x100x128xf32, #tpu.memory_space<vmem>>) target(%dma_start3A_146 : memref<2x100x128xf32, #tpu.memory_space<hbm>>) target_semaphore(%arg12 : memref<!tpu.dma_semaphore, #tpu.memory_space<semaphore_mem>>)
      %dma_wait3A_147 = arith.constant 0 : i32
      %dma_wait3A_148 = arith.constant 0 : i32
      %dma_wait3A_149 = tpu.memref_slice %arg4[%mul3A_2, %dma_wait3A_147, %dma_wait3A_148] : memref<16384x100x128xf32, #tpu.memory_space<hbm>> -> memref<2x100x128xf32, #tpu.memory_space<hbm>>
      %dma_wait3A_150 = arith.constant 0 : i32
      %dma_wait3A_151 = arith.constant 0 : i32
      %dma_wait3A_152 = tpu.memref_slice %arg4[%mul3A_2, %dma_wait3A_150, %dma_wait3A_151] : memref<16384x100x128xf32, #tpu.memory_space<hbm>> -> memref<2x100x128xf32, #tpu.memory_space<hbm>>
      tpu.wait_dma2 semaphore(%arg11 : memref<!tpu.dma_semaphore, #tpu.memory_space<semaphore_mem>>) src(%arg6 : memref<2x100x128xf32, #tpu.memory_space<vmem>>) dst(%dma_wait3A_152 : memref<2x100x128xf32, #tpu.memory_space<hbm>>)
      %lt3A = arith.constant 127 : i32
      %lt3A_153 = arith.cmpi slt, %scan3A_39, %lt3A : i32
      %convert_element_type3A_154 = arith.extui %lt3A_153 : i1 to i32
      %cond3A_155 = arith.constant 0 : i32
      %cond3A_156 = arith.cmpi ne, %convert_element_type3A_154, %cond3A_155 : i32
      scf.if %cond3A_156 {
        %add3A_158 = arith.constant 2 : i32
        %add3A_159 = arith.addi %mul3A_42, %add3A_158 : i32
        %mul3A_160 = arith.constant 2 : i32
        %mul3A_161 = arith.muli %add3A_159, %mul3A_160 : i32
        %add3A_162 = arith.constant 0 : i32
        %add3A_163 = arith.addi %mul3A_161, %add3A_162 : i32
        %dma_start3A_164 = arith.constant 0 : i32
        %dma_start3A_165 = arith.constant 0 : i32
        %dma_start3A_166 = arith.constant 0 : i32
        %dma_start3A_167 = tpu.memref_slice %arg6[%dma_start3A_164, %dma_start3A_165, %dma_start3A_166] : memref<2x100x128xf32, #tpu.memory_space<vmem>> -> memref<1x100x128xf32, #tpu.memory_space<vmem>>
        %dma_start3A_168 = tpu.memref_squeeze %dma_start3A_167 : memref<1x100x128xf32, #tpu.memory_space<vmem>> -> memref<100x128xf32, #tpu.memory_space<vmem>>
        %dma_start3A_169 = arith.constant 0 : i32
        %dma_start3A_170 = tpu.memref_slice %arg5[%add3A_163, %dma_start3A_169] : memref<512x100xi32, #tpu.memory_space<vmem>> -> memref<1x100xi32, #tpu.memory_space<vmem>>
        %dma_start3A_171 = tpu.memref_squeeze %dma_start3A_170 : memref<1x100xi32, #tpu.memory_space<vmem>> -> memref<100xi32, #tpu.memory_space<vmem>>
        %dma_start3A_172 = arith.constant 0 : i32
        %dma_start3A_173 = arith.constant 0 : i32
        %dma_start3A_174 = tpu.memref_slice %arg8[%dma_start3A_172, %dma_start3A_173] : memref<49x128xf32, #tpu.memory_space<vmem_shared>> -> memref<49x128xf32, #tpu.memory_space<vmem_shared>>
        tpu.enqueue_indirect_dma source(%dma_start3A_174 : memref<49x128xf32, #tpu.memory_space<vmem_shared>>) target(%dma_start3A_168 : memref<100x128xf32, #tpu.memory_space<vmem>>) offsets(%dma_start3A_171 : memref<100xi32, #tpu.memory_space<vmem>>) semaphore(%arg9 : memref<!tpu.dma_semaphore, #tpu.memory_space<semaphore_mem>>)
        %mul3A_175 = arith.constant 2 : i32
        %mul3A_176 = arith.muli %add3A_159, %mul3A_175 : i32
        %add3A_177 = arith.constant 1 : i32
        %add3A_178 = arith.addi %mul3A_176, %add3A_177 : i32
        %dma_start3A_179 = arith.constant 1 : i32
        %dma_start3A_180 = arith.constant 0 : i32
        %dma_start3A_181 = arith.constant 0 : i32
        %dma_start3A_182 = tpu.memref_slice %arg6[%dma_start3A_179, %dma_start3A_180, %dma_start3A_181] : memref<2x100x128xf32, #tpu.memory_space<vmem>> -> memref<1x100x128xf32, #tpu.memory_space<vmem>>
        %dma_start3A_183 = tpu.memref_squeeze %dma_start3A_182 : memref<1x100x128xf32, #tpu.memory_space<vmem>> -> memref<100x128xf32, #tpu.memory_space<vmem>>
        %dma_start3A_184 = arith.constant 0 : i32
        %dma_start3A_185 = tpu.memref_slice %arg5[%add3A_178, %dma_start3A_184] : memref<512x100xi32, #tpu.memory_space<vmem>> -> memref<1x100xi32, #tpu.memory_space<vmem>>
        %dma_start3A_186 = tpu.memref_squeeze %dma_start3A_185 : memref<1x100xi32, #tpu.memory_space<vmem>> -> memref<100xi32, #tpu.memory_space<vmem>>
        %dma_start3A_187 = arith.constant 0 : i32
        %dma_start3A_188 = arith.constant 0 : i32
        %dma_start3A_189 = tpu.memref_slice %arg8[%dma_start3A_187, %dma_start3A_188] : memref<49x128xf32, #tpu.memory_space<vmem_shared>> -> memref<49x128xf32, #tpu.memory_space<vmem_shared>>
        tpu.enqueue_indirect_dma source(%dma_start3A_189 : memref<49x128xf32, #tpu.memory_space<vmem_shared>>) target(%dma_start3A_183 : memref<100x128xf32, #tpu.memory_space<vmem>>) offsets(%dma_start3A_186 : memref<100xi32, #tpu.memory_space<vmem>>) semaphore(%arg9 : memref<!tpu.dma_semaphore, #tpu.memory_space<semaphore_mem>>)
      } else {
      }
      %scan3A_157 = arith.constant 0 : i32
      scf.yield %scan3A_157 : i32
    }
    %scan3A_33 = arith.constant 128 : i32
    %dma_wait3A = arith.constant 0 : i32
    %dma_wait3A_34 = arith.constant 0 : i32
    %dma_wait3A_35 = tpu.memref_slice %arg4[%mul3A_2, %dma_wait3A, %dma_wait3A_34] : memref<16384x100x128xf32, #tpu.memory_space<hbm>> -> memref<2x100x128xf32, #tpu.memory_space<hbm>>
    %dma_wait3A_36 = arith.constant 0 : i32
    %dma_wait3A_37 = arith.constant 0 : i32
    %dma_wait3A_38 = tpu.memref_slice %arg4[%mul3A_2, %dma_wait3A_36, %dma_wait3A_37] : memref<16384x100x128xf32, #tpu.memory_space<hbm>> -> memref<2x100x128xf32, #tpu.memory_space<hbm>>
    tpu.wait_dma2 semaphore(%arg12 : memref<!tpu.dma_semaphore, #tpu.memory_space<semaphore_mem>>) src(%arg7 : memref<2x100x128xf32, #tpu.memory_space<vmem>>) dst(%dma_wait3A_38 : memref<2x100x128xf32, #tpu.memory_space<hbm>>)
    return
  }
}

module attributes {stable_mosaic.version = 14 : i64} {
  func.func @_pack_body(%arg0: i32, %arg1: memref<1024x200xi32, #tpu.memory_space<vmem>>, %arg2: memref<200x100xf32, #tpu.memory_space<vmem>>, %arg3: memref<1024x100xi32, #tpu.memory_space<vmem>>) attributes {dimension_semantics = [#tpu.dimension_semantics<arbitrary>], iteration_bounds = array<i64: 16>, scalar_prefetch = 0 : i64, scratch_operands = 0 : i64, tpu.core_type = #tpu.core_type<tc>, window_params = [{transform_indices = @transform_0, window_bounds = array<i64: 1024, 200>}, {pipeline_mode = #tpu.pipeline_mode<synchronous>, transform_indices = @transform_1, window_bounds = array<i64: 200, 100>}, {transform_indices = @transform_2, window_bounds = array<i64: 1024, 100>}]} {
    %get3A = arith.constant 0 : index
    %get3A_0 = arith.constant 0 : index
    %get3A_1 = vector.load %arg1[%get3A, %get3A_0] : memref<1024x200xi32, #tpu.memory_space<vmem>>, vector<1024x200xi32>
    %convert_element_type3A = arith.sitofp %get3A_1 : vector<1024x200xi32> to vector<1024x200xf32>
    %get3A_2 = arith.constant 0 : index
    %get3A_3 = arith.constant 0 : index
    %get3A_4 = vector.load %arg2[%get3A_2, %get3A_3] : memref<200x100xf32, #tpu.memory_space<vmem>>, vector<200x100xf32>
    %dot_general3A = arith.constant dense<0.000000e+00> : vector<1024x100xf32>
    %dot_general3A_5 = tpu.matmul %convert_element_type3A, %get3A_4, %dot_general3A {dimension_numbers = #tpu.dot_dimension_numbers<[1], [0], [0], [1], [0, 0, 1, 1], [], []>, transpose_lhs_hint = false} : vector<1024x200xf32>, vector<200x100xf32>, vector<1024x100xf32> -> vector<1024x100xf32>
    %convert_element_type3A_6 = arith.fptosi %dot_general3A_5 : vector<1024x100xf32> to vector<1024x100xi32>
    %swap3A = arith.constant 0 : index
    %swap3A_7 = arith.constant 0 : index
    %swap3A_8 = vector.load %arg3[%swap3A, %swap3A_7] : memref<1024x100xi32, #tpu.memory_space<vmem>>, vector<1024x100xi32>
    tpu.vector_store %arg3[%swap3A, %swap3A_7], %convert_element_type3A_6 {strides = array<i32>} : memref<1024x100xi32, #tpu.memory_space<vmem>>, vector<1024x100xi32>,
    return
  }
  func.func @transform_0(%arg0: i32) -> (i32, i32) {
    %c0_i32 = arith.constant 0 : i32
    %c0_i32_0 = arith.constant 0 : i32
    return %arg0, %c0_i32 : i32, i32
  }
  func.func @transform_1(%arg0: i32) -> (i32, i32) {
    %c0_i32 = arith.constant 0 : i32
    %c0_i32_0 = arith.constant 0 : i32
    %c0_i32_1 = arith.constant 0 : i32
    return %c0_i32, %c0_i32_0 : i32, i32
  }
  func.func @transform_2(%arg0: i32) -> (i32, i32) {
    %c0_i32 = arith.constant 0 : i32
    %c0_i32_0 = arith.constant 0 : i32
    return %arg0, %c0_i32 : i32, i32
  }
}

module attributes {stable_mosaic.version = 14 : i64} {
  func.func @_lut_body(%arg0: memref<7x64xf32, #tpu.memory_space<vmem>>, %arg1: memref<3x32xf32, #tpu.memory_space<vmem>>, %arg2: memref<96x64xf32, #tpu.memory_space<vmem>>, %arg3: memref<1x64xf32, #tpu.memory_space<vmem>>, %arg4: memref<1x64xf32, #tpu.memory_space<vmem>>, %arg5: memref<1x64xf32, #tpu.memory_space<vmem>>, %arg6: memref<49x128xf32, #tpu.memory_space<vmem>>) attributes {dimension_semantics = [], scalar_prefetch = 0 : i64, scratch_operands = 0 : i64, tpu.core_type = #tpu.core_type<tc>} {
    %get3A = arith.constant 0 : index
    %get3A_0 = arith.constant 0 : index
    %get3A_1 = vector.load %arg0[%get3A, %get3A_0] : memref<7x64xf32, #tpu.memory_space<vmem>>, vector<7x64xf32>
    %get3A_2 = arith.constant 0 : index
    %get3A_3 = arith.constant 0 : index
    %get3A_4 = vector.load %arg1[%get3A_2, %get3A_3] : memref<3x32xf32, #tpu.memory_space<vmem>>, vector<3x32xf32>
    %slice3A = vector.extract_strided_slice %get3A_4 {offsets = [0, 0], sizes = [1, 32], strides = [1, 1]} : vector<3x32xf32> to vector<1x32xf32>
    %slice3A_5 = vector.extract_strided_slice %get3A_4 {offsets = [0, 0], sizes = [1, 32], strides = [1, 1]} : vector<3x32xf32> to vector<1x32xf32>
    %slice3A_6 = vector.extract_strided_slice %get3A_4 {offsets = [0, 0], sizes = [1, 32], strides = [1, 1]} : vector<3x32xf32> to vector<1x32xf32>
    %slice3A_7 = vector.extract_strided_slice %get3A_4 {offsets = [1, 0], sizes = [1, 32], strides = [1, 1]} : vector<3x32xf32> to vector<1x32xf32>
    %slice3A_8 = vector.extract_strided_slice %get3A_4 {offsets = [1, 0], sizes = [1, 32], strides = [1, 1]} : vector<3x32xf32> to vector<1x32xf32>
    %slice3A_9 = vector.extract_strided_slice %get3A_4 {offsets = [2, 0], sizes = [1, 32], strides = [1, 1]} : vector<3x32xf32> to vector<1x32xf32>
    %slice3A_10 = vector.extract_strided_slice %get3A_4 {offsets = [2, 0], sizes = [1, 32], strides = [1, 1]} : vector<3x32xf32> to vector<1x32xf32>
    %concatenate3A = tpu.concatenate %slice3A, %slice3A_5, %slice3A_6, %slice3A_7, %slice3A_8, %slice3A_9, %slice3A_10 in 0 : vector<1x32xf32>, vector<1x32xf32>, vector<1x32xf32>, vector<1x32xf32>, vector<1x32xf32>, vector<1x32xf32>, vector<1x32xf32> -> vector<7x32xf32>
    %concatenate3A_11 = tpu.concatenate %get3A_1, %concatenate3A in 1 : vector<7x64xf32>, vector<7x32xf32> -> vector<7x96xf32>
    %get3A_12 = arith.constant 0 : index
    %get3A_13 = arith.constant 0 : index
    %get3A_14 = vector.load %arg2[%get3A_12, %get3A_13] : memref<96x64xf32, #tpu.memory_space<vmem>>, vector<96x64xf32>
    %dot_general3A = arith.constant dense<0.000000e+00> : vector<7x64xf32>
    %dot_general3A_15 = tpu.matmul %concatenate3A_11, %get3A_14, %dot_general3A {dimension_numbers = #tpu.dot_dimension_numbers<[1], [0], [0], [1], [0, 0, 1, 1], [], []>, transpose_lhs_hint = false} : vector<7x96xf32>, vector<96x64xf32>, vector<7x64xf32> -> vector<7x64xf32>
    %get3A_16 = arith.constant 0 : index
    %get3A_17 = arith.constant 0 : index
    %get3A_18 = vector.load %arg3[%get3A_16, %get3A_17] : memref<1x64xf32, #tpu.memory_space<vmem>>, vector<1x64xf32>
    %add3A = vector.broadcast %get3A_18 : vector<1x64xf32> to vector<7x64xf32>
    %add3A_19 = arith.addf %dot_general3A_15, %add3A : vector<7x64xf32>
    %reduce_sum3A = arith.constant dense<0.000000e+00> : vector<7xf32>
    %reduce_sum3A_20 = vector.multi_reduction <add>, %add3A_19, %reduce_sum3A [1] : vector<7x64xf32> to vector<7xf32>
    %broadcast_in_dim3A = vector.shape_cast %reduce_sum3A_20 : vector<7xf32> to vector<7x1xf32>
    %div3A = arith.constant 6.400000e+01 : f32
    %div3A_21 = vector.broadcast %div3A : f32 to vector<7x1xf32>
    %div3A_22 = arith.divf %broadcast_in_dim3A, %div3A_21 : vector<7x1xf32>
    %sub3A = vector.broadcast %div3A_22 : vector<7x1xf32> to vector<7x64xf32>
    %sub3A_23 = arith.subf %add3A_19, %sub3A : vector<7x64xf32>
    %integer_pow3A = arith.mulf %sub3A_23, %sub3A_23 : vector<7x64xf32>
    %reduce_sum3A_24 = arith.constant dense<0.000000e+00> : vector<7xf32>
    %reduce_sum3A_25 = vector.multi_reduction <add>, %integer_pow3A, %reduce_sum3A_24 [1] : vector<7x64xf32> to vector<7xf32>
    %broadcast_in_dim3A_26 = vector.shape_cast %reduce_sum3A_25 : vector<7xf32> to vector<7x1xf32>
    %div3A_27 = arith.constant 6.400000e+01 : f32
    %div3A_28 = vector.broadcast %div3A_27 : f32 to vector<7x1xf32>
    %div3A_29 = arith.divf %broadcast_in_dim3A_26, %div3A_28 : vector<7x1xf32>
    %sub3A_30 = vector.broadcast %div3A_22 : vector<7x1xf32> to vector<7x64xf32>
    %sub3A_31 = arith.subf %add3A_19, %sub3A_30 : vector<7x64xf32>
    %add3A_32 = arith.constant 9.99999974E-6 : f32
    %add3A_33 = vector.broadcast %add3A_32 : f32 to vector<7x1xf32>
    %add3A_34 = arith.addf %div3A_29, %add3A_33 : vector<7x1xf32>
    %rsqrt3A = math.rsqrt %add3A_34 : vector<7x1xf32>
    %mul3A = vector.broadcast %rsqrt3A : vector<7x1xf32> to vector<7x64xf32>
    %mul3A_35 = arith.mulf %sub3A_31, %mul3A : vector<7x64xf32>
    %get3A_36 = arith.constant 0 : index
    %get3A_37 = arith.constant 0 : index
    %get3A_38 = vector.load %arg4[%get3A_36, %get3A_37] : memref<1x64xf32, #tpu.memory_space<vmem>>, vector<1x64xf32>
    %mul3A_39 = vector.broadcast %get3A_38 : vector<1x64xf32> to vector<7x64xf32>
    %mul3A_40 = arith.mulf %mul3A_35, %mul3A_39 : vector<7x64xf32>
    %get3A_41 = arith.constant 0 : index
    %get3A_42 = arith.constant 0 : index
    %get3A_43 = vector.load %arg5[%get3A_41, %get3A_42] : memref<1x64xf32, #tpu.memory_space<vmem>>, vector<1x64xf32>
    %add3A_44 = vector.broadcast %get3A_43 : vector<1x64xf32> to vector<7x64xf32>
    %add3A_45 = arith.addf %mul3A_40, %add3A_44 : vector<7x64xf32>
    %iota3A = tpu.iota {dimensions = array<i32: 0>} : vector<49x7xi32>
    %iota3A_46 = tpu.iota {dimensions = array<i32: 1>} : vector<49x7xi32>
    %jit3A = arith.constant 7 : i32
    %div3A_47 = vector.broadcast %jit3A : i32 to vector<49x7xi32>
    %div3A_48 = arith.divsi %iota3A, %div3A_47 : vector<49x7xi32>
    %sign3A = arith.constant 0 : i32
    %sign3A_49 = vector.broadcast %sign3A : i32 to vector<49x7xi32>
    %sign3A_50 = arith.cmpi sgt, %iota3A, %sign3A_49 : vector<49x7xi32>
    %sign3A_51 = arith.extui %sign3A_50 : vector<49x7xi1> to vector<49x7xi32>
    %sign3A_52 = arith.constant 0 : i32
    %sign3A_53 = vector.broadcast %sign3A_52 : i32 to vector<49x7xi32>
    %sign3A_54 = arith.cmpi slt, %iota3A, %sign3A_53 : vector<49x7xi32>
    %sign3A_55 = arith.extui %sign3A_54 : vector<49x7xi1> to vector<49x7xi32>
    %sign3A_56 = arith.subi %sign3A_51, %sign3A_55 : vector<49x7xi32>
    %sign3A_57 = arith.constant 0 : i32
    %sign3A_58 = arith.cmpi sgt, %jit3A, %sign3A_57 : i32
    %sign3A_59 = arith.extui %sign3A_58 : i1 to i32
    %sign3A_60 = arith.constant 0 : i32
    %sign3A_61 = arith.cmpi slt, %jit3A, %sign3A_60 : i32
    %sign3A_62 = arith.extui %sign3A_61 : i1 to i32
    %sign3A_63 = arith.subi %sign3A_59, %sign3A_62 : i32
    %ne3A = vector.broadcast %sign3A_63 : i32 to vector<49x7xi32>
    %ne3A_64 = arith.cmpi ne, %sign3A_56, %ne3A : vector<49x7xi32>
    %rem3A = vector.broadcast %jit3A : i32 to vector<49x7xi32>
    %rem3A_65 = arith.remsi %iota3A, %rem3A : vector<49x7xi32>
    %ne3A_66 = arith.constant 0 : i32
    %ne3A_67 = vector.broadcast %ne3A_66 : i32 to vector<49x7xi32>
    %ne3A_68 = arith.cmpi ne, %rem3A_65, %ne3A_67 : vector<49x7xi32>
    %and3A = arith.andi %ne3A_64, %ne3A_68 : vector<49x7xi1>
    %sub3A_69 = arith.constant 1 : i32
    %sub3A_70 = vector.broadcast %sub3A_69 : i32 to vector<49x7xi32>
    %sub3A_71 = arith.subi %div3A_48, %sub3A_70 : vector<49x7xi32>
    %select_n3A = arith.select %and3A, %sub3A_71, %div3A_48 : vector<49x7xi1>, vector<49x7xi32>
    %eq3A = arith.cmpi eq, %select_n3A, %iota3A_46 : vector<49x7xi32>
    %convert_element_type3A = arith.extui %eq3A : vector<49x7xi1> to vector<49x7xi32>
    %convert_element_type3A_72 = arith.sitofp %convert_element_type3A : vector<49x7xi32> to vector<49x7xf32>
    %jit3A_73 = arith.constant 7 : i32
    %eq3A_74 = arith.constant 0 : i32
    %eq3A_75 = arith.cmpi eq, %jit3A_73, %eq3A_74 : i32
    %jit3A_76 = arith.constant 1 : i32
    %select_n3A_77 = arith.select %eq3A_75, %jit3A_76, %jit3A_73 : i32
    %rem3A_78 = vector.broadcast %select_n3A_77 : i32 to vector<49x7xi32>
    %rem3A_79 = arith.remsi %iota3A, %rem3A_78 : vector<49x7xi32>
    %ne3A_80 = arith.constant 0 : i32
    %ne3A_81 = vector.broadcast %ne3A_80 : i32 to vector<49x7xi32>
    %ne3A_82 = arith.cmpi ne, %rem3A_79, %ne3A_81 : vector<49x7xi32>
    %lt3A = arith.constant 0 : i32
    %lt3A_83 = vector.broadcast %lt3A : i32 to vector<49x7xi32>
    %lt3A_84 = arith.cmpi slt, %rem3A_79, %lt3A_83 : vector<49x7xi32>
    %lt3A_85 = arith.constant 0 : i32
    %lt3A_86 = arith.cmpi slt, %select_n3A_77, %lt3A_85 : i32
    %ne3A_87 = vector.broadcast %lt3A_86 : i1 to vector<49x7xi1>
    %ne3A_88 = vector.broadcast %ne3A_87 : vector<49x7xi1> to vector<49x7xi1>
    %ne3A_89 = arith.xori %lt3A_84, %ne3A_88 : vector<49x7xi1>
    %and3A_90 = arith.andi %ne3A_89, %ne3A_82 : vector<49x7xi1>
    %add3A_91 = vector.broadcast %select_n3A_77 : i32 to vector<49x7xi32>
    %add3A_92 = arith.addi %rem3A_79, %add3A_91 : vector<49x7xi32>
    %select_n3A_93 = arith.select %and3A_90, %add3A_92, %rem3A_79 : vector<49x7xi1>, vector<49x7xi32>
    %eq3A_94 = arith.cmpi eq, %select_n3A_93, %iota3A_46 : vector<49x7xi32>
    %convert_element_type3A_95 = arith.extui %eq3A_94 : vector<49x7xi1> to vector<49x7xi32>
    %convert_element_type3A_96 = arith.sitofp %convert_element_type3A_95 : vector<49x7xi32> to vector<49x7xf32>
    %dot_general3A_97 = arith.constant dense<0.000000e+00> : vector<49x64xf32>
    %dot_general3A_98 = tpu.matmul %convert_element_type3A_72, %add3A_45, %dot_general3A_97 {dimension_numbers = #tpu.dot_dimension_numbers<[1], [0], [0], [1], [0, 0, 1, 1], [], []>, transpose_lhs_hint = false} : vector<49x7xf32>, vector<7x64xf32>, vector<49x64xf32> -> vector<49x64xf32>
    %dot_general3A_99 = arith.constant dense<0.000000e+00> : vector<49x64xf32>
    %dot_general3A_100 = tpu.matmul %convert_element_type3A_96, %add3A_45, %dot_general3A_99 {dimension_numbers = #tpu.dot_dimension_numbers<[1], [0], [0], [1], [0, 0, 1, 1], [], []>, transpose_lhs_hint = false} : vector<49x7xf32>, vector<7x64xf32>, vector<49x64xf32> -> vector<49x64xf32>
    %concatenate3A_101 = tpu.concatenate %dot_general3A_98, %dot_general3A_100 in 1 : vector<49x64xf32>, vector<49x64xf32> -> vector<49x128xf32>
    %swap3A = arith.constant 0 : index
    %swap3A_102 = arith.constant 0 : index
    %swap3A_103 = vector.load %arg6[%swap3A, %swap3A_102] : memref<49x128xf32, #tpu.memory_space<vmem>>, vector<49x128xf32>
    tpu.vector_store %arg6[%swap3A, %swap3A_102], %concatenate3A_101 {strides = array<i32>} : memref<49x128xf32, #tpu.memory_space<vmem>>, vector<49x128xf32>,
    return
  }
}

</mosaic_0001>

<sc_bundles>
// kernel: kernel.5.cloned.1.call-start
scs
__scs_entry_jumppad:
0x0: {  	(pc) =	sbr.rel $0x88, $3  }
0x1: {  	(tag) =	ssettag $0x0;
	lr =	simm.s32 $0x1  }
0x2: {  	[smem:$0x3F9A] =	sst lr;
	_ =	strace $0xD0000000  }
0x3: {  	_ = 	snop  }
0x4: {  	_ = 	snop  }
0x5: {  	_ = 	snop  }
0x6: {  	_ = 	snop  }
0x7: {  	_ = 	snop  }
__scs_overlays_trampoline_lowered:
0x8: {  	[smem:$0x3FA9] =	sst s0  }
0x9: {  	[smem:$0x3FAA] =	sst s1  }
0xa: {  	[smem:$0x3FAB] =	sst s2  }
0xb: {  	[smem:$0x3FAC] =	sst s3  }
0xc: {  	[smem:$0x3FAD] =	sst s4  }
0xd: {  	[smem:$0x3FAE] =	sst s5  }
0xe: {  	[smem:$0x3FAF] =	sst s6  }
0xf: {  	[smem:$0x3FB0] =	sst s7  }
0x10: {  	[smem:$0x3FB1] =	sst s8  }
0x11: {  	[smem:$0x3FB2] =	sst s9;
	s0 =	simm.s32 @!p0 $0x0  }
0x12: {  	s1 =	sld [smem:$0x3F98];
	s0 =	simm.s32 @p0 $0x1  }
0x13: {  	[smem:$0x3FB3] =	sst s0;
	s0 =	simm.s32 @!p1 $0x0  }
0x14: {  	s2 =	sld [smem:$0x3F97];
	s0 =	simm.s32 @p1 $0x1  }
0x15: {  	[smem:$0x3FB4] =	sst s0;
	s0 =	simm.s32 @!p2 $0x0  }
0x16: {  	s3 =	sld [smem:$0x3FDB];
	s0 =	simm.s32 @p2 $0x1  }
0x17: {  	s4 =	simm.s32 $0x1BF5;
	[smem:$0x3FB6] =	sst s0  }
0x18: {  	s0 =	sld [smem:$0x3F99];
	_ =	swait.ge [sflag:s4], $0x0  }
0x19: {  	s7 =	sld [smem:$0x3F9A]  }
0x1a: {  	s8 =	sadd.s32 $0xFFFFE003, lr  }
0x1b: {  	s9 =	sadd.s32 $0xFFFFFEF7, lr;
	s5 =	simm.s32 $0xFFFFFFFF;
	p2 =	slt.u32 s8, $0xFFFFF086  }
0x1c: {  	p1 =	slt.u32 s9, $0xF7A;
	s5 =	simm.s32 @!p2 $0x0  }
0x1d: {  	s5 =	simm.s32 @p1 $0x1;
	p0 =	seq.s32 s7, s2  }
0x1e: {  	s7 =	smul.u32 @!p0 $0xF7A, s2;
	p2 =	seq.s32 @!p0 s5, $0x0  }
0x1f: {  	s9 =	smul.u32 $0xF7A, s1;
	s8 =	simm.s32 @!p0 $0x1BF5;
	p2 =	por !p2, p0  }
0x20: {  	[sflag:s8] =	ssyncset.s32 @!p0 $0xFFFFF086;
	s6 =	sadd.s32 @!p0 s3, s7;
	s7 =	simm.s32 @!p0 $0x108  }
0x21: {  	s3 =	sadd.s32 s3, s9;
	s6 =	sadd.s32 @!p0 $0x88, s6;
	s7 =	simm.s32 @p2 $0x1082  }
0x22: {  	[simem:s7], [sflag:s8] =	dma.local @!p0 [hbm:s6], $0xF7A  }
0x23: {  	s9 =	sor.u32 $0xD0000000, s2;
	s6 =	simm.s32 $0x108;
	_ =	swait.ge @!p0 [sflag:s8], $0x0  }
0x24: {  	s3 =	sadd.s32 $0x88, s3;
	s6 =	simm.s32 @!p1 $0x1082;
	[sflag:s4] =	ssyncset.s32 $0xFFFFF086  }
0x25: {  	[simem:s6], [sflag:s4] =	dma.local [hbm:s3], $0xF7A  }
0x26: {  	[smem:$0x3F9A] =	sst s1;
	(tag) =	ssettag s2;
	_ =	strace s9  }
0x27: {  	s1 =	sld [smem:$0x3FAA]  }
0x28: {  	s2 =	sld [smem:$0x3FAB]  }
0x29: {  	s4 =	sld [smem:$0x3FAD]  }
0x2a: {  	p0 =	seq.s32 s5, $0x0;
	s5 =	sld [smem:$0x3FAE]  }
0x2b: {  	s6 =	sld [smem:$0x3FAF]  }
0x2c: {  	s7 =	sld [smem:$0x3FB0]  }
0x2d: {  	s3 =	simm.s32 $0x108;
	s8 =	sld [smem:$0x3FB1]  }
0x2e: {  	s3 =	simm.s32 @!p0 $0x1082;
	s9 =	sld [smem:$0x3FB2]  }
0x2f: {  	lr =	sadd.s32 s0, s3;
	s0 =	sld [smem:$0x3FA9]  }
0x30: {  	s3 =	sld [smem:$0x3FAC]  }
0x31: {  	[smem:$0x3FB5] =	sst s10  }
0x32: {  	s10 =	sld [smem:$0x3FB3];
	_ =	sdelay $0x3  }
0x33: {  	p0 =	seq.s32 s10, $0x1;
	s10 =	sld [smem:$0x3FB5];
	_ =	sdelay $0x3  }
0x34: {  	[smem:$0x3FB5] =	sst s10  }
0x35: {  	s10 =	sld [smem:$0x3FB4];
	_ =	sdelay $0x3  }
0x36: {  	p1 =	seq.s32 s10, $0x1;
	s10 =	sld [smem:$0x3FB5];
	_ =	sdelay $0x3  }
0x37: {  	[smem:$0x3FB5] =	sst s10  }
0x38: {  	s10 =	sld [smem:$0x3FB6]  }
0x39: {  	_ = 	snop;
	(pc) =	sbr.ind lr, $3  }
0x3a: {  	_ = 	snop  }
0x3b: {  	_ = 	snop  }
0x3c: {  	p2 =	seq.s32 s10, $0x1;
	s10 =	sld [smem:$0x3FB5]  }
0x3d: {  	_ =	shalt  }
0x3e: {  	_ =	shalt  }
0x3f: {  	_ =	shalt  }
0x40: {  	_ =	shalt  }
0x41: {  	_ =	shalt  }
0x42: {  	_ =	shalt  }
0x43: {  	_ =	shalt  }
0x44: {  	_ =	shalt  }
0x45: {  	_ =	shalt  }
0x46: {  	_ =	shalt  }
0x47: {  	_ =	shalt  }
0x48: {  	_ =	shalt  }
0x49: {  	_ =	shalt  }
0x4a: {  	_ =	shalt  }
0x4b: {  	_ =	shalt  }
0x4c: {  	_ =	shalt  }
0x4d: {  	_ =	shalt  }
0x4e: {  	_ =	shalt  }
0x4f: {  	_ =	shalt  }
0x50: {  	_ =	shalt  }
0x51: {  	_ =	shalt  }
0x52: {  	_ =	shalt  }
0x53: {  	_ =	shalt  }
0x54: {  	_ =	shalt  }
0x55: {  	_ =	shalt  }
0x56: {  	_ =	shalt  }
0x57: {  	_ =	shalt  }
0x58: {  	_ =	shalt  }
0x59: {  	_ =	shalt  }
0x5a: {  	_ =	shalt  }
0x5b: {  	_ =	shalt  }
0x5c: {  	_ =	shalt  }
0x5d: {  	_ =	shalt  }
0x5e: {  	_ =	shalt  }
0x5f: {  	_ =	shalt  }
0x60: {  	_ =	shalt  }
0x61: {  	_ =	shalt  }
0x62: {  	_ =	shalt  }
0x63: {  	_ =	shalt  }
0x64: {  	_ =	shalt  }
0x65: {  	_ =	shalt  }
0x66: {  	_ =	shalt  }
0x67: {  	_ =	shalt  }
0x68: {  	_ =	shalt  }
0x69: {  	_ =	shalt  }
0x6a: {  	_ =	shalt  }
0x6b: {  	_ =	shalt  }
0x6c: {  	_ =	shalt  }
0x6d: {  	_ =	shalt  }
0x6e: {  	_ =	shalt  }
0x6f: {  	_ =	shalt  }
0x70: {  	_ =	shalt  }
0x71: {  	_ =	shalt  }
0x72: {  	_ =	shalt  }
0x73: {  	_ =	shalt  }
0x74: {  	_ =	shalt  }
0x75: {  	_ =	shalt  }
0x76: {  	_ =	shalt  }
0x77: {  	_ =	shalt  }
0x78: {  	_ =	shalt  }
0x79: {  	_ =	shalt  }
0x7a: {  	_ =	shalt  }
0x7b: {  	_ =	shalt  }
0x7c: {  	_ =	shalt  }
0x7d: {  	_ =	shalt  }
0x7e: {  	_ =	shalt  }
0x7f: {  	_ =	shalt  }
0x80: {  	_ =	shalt  }
0x81: {  	_ =	shalt  }
0x82: {  	_ =	shalt  }
0x83: {  	_ =	shalt  }
0x84: {  	_ =	shalt  }
0x85: {  	_ =	shalt  }
0x86: {  	_ =	shalt  }
0x87: {  	_ =	shalt  }
.Lfunc_end0:
.L_simem_size_0:
called_computation_lowered:
.L_overlay_start_0:
0x88: {  	s2 =	sld [smem:$0x3FD9]  }
0x89: {  	s3 =	sld [smem:$0x3FFE];
	_ =	sdelay $0x1  }
0x8a: {  	s1 =	srdreg.scid  }
0x8b: {  	s0 =	sand.u32 $0x1, s1  }
0x8c: {  	s17 =	sshll.u32 s0, $0xA;
	s2 =	sadd.s32 s3, s2  }
0x8d: {  	s2 =	sadd.s32 s2, s17  }
0x8e: {  	[smem:$0x3FC1] =	sst s2  }
0x8f: {  	_ = 	snop  }
0x90: {  	s2 =	sld [smem:$0x3FD0];
	(tm) =	ssettm $0x1  }
0x91: {  	s18 =	sld [smem:$0x3FFB];
	_ =	sdelay $0x3  }
0x92: {  	_ =	strace s18  }
0x93: {  	s3 =	sld [smem:$0x3FFC];
	_ =	sdelay $0x3  }
0x94: {  	_ =	strace s3  }
0x95: {  	s3 =	sld [smem:$0x3FFD];
	_ =	sdelay $0x3  }
0x96: {  	_ =	strace s3  }
0x97: {  	_ =	strace $0x8FFFFFFF  }
0x98: {  	s19 =	sld [smem:$0x3FDB];
	_ =	sdelay $0x1  }
0x99: {  	s4 =	simm.s32 $_scs_section_size  }
0x9a: {  	s5 =	simm.s32 $_size__tile_overlayer_lowered;
	s6 =	simm.s32 $_tile_overlayer_lowered  }
0x9b: {  	s22 =	simm.s32 $0x1BFF;
	s21 =	sshll.u32 s6, $0x1;
	s3 =	sadd.s32 s4, s19  }
0x9c: {  	s7 =	simm.s32 $0x0;
	s20 =	sshll.u32 s5, $0x1;
	s5 =	sadd.s32 s21, s3  }
0x9d: {  	[timem:s7], [sflag:s22] =	dma.local [hbm:s5], s20  }
0x9e: {  	_ =	swait.ge [sflag:s22], s20  }
0x9f: {  	s4 =	ssub.s32 $0x0, s20;
	[sflag:s22] =	ssyncset.done $0x0  }
0xa0: {  	[sflag:s22] =	ssyncadd.s32 s4;
	_ =	sdelay $0x1  }
0xa1: {  	s23 =	simm.s32 $0x1B8B  }
0xa2: {  	_ =	swait.ge [sflag:s23], $0x1  }
0xa3: {  	[sflag:s23] =	ssyncset.done $0x0  }
0xa4: {  	s25 =	simm.s32 $0x1B8E;
	s24 =	sld [smem:$0x3FFE];
	[sflag:s23] =	ssyncadd.s32 $0xFFFFFFFF  }
0xa5: {  	s26 =	simm.s32 $execute0_lowered;
	[smem:$0x3FD2] =	sst s25  }
0xa6: {  	s5 =	sshll.u32 s26, $0x1;
	_ =	strace $0x80000046;
	[dreg:$0x1] =	wrdreg $0xFFFFFFFF  }
0xa7: {  	s28 =	simm.s32 $_size_execute0_lowered;
	s3 =	sadd.s32 s3, s5;
	[dreg:$0x0] =	wrdreg $0x0  }
0xa8: {  	s5 =	sshll.u32 s28, $0x1;
	[dreg:$0x2] =	wrdreg s3  }
0xa9: {  	[dreg:$0x3] =	wrdreg s5  }
0xaa: {  	[dreg:$0x4] =	wrdreg $0xC0  }
0xab: {  	_ =	task [dreg:s7], $0x5FFFF  }
0xac: {  	[dreg:$0x1] =	wrdreg $0xFFFFFFFF  }
0xad: {  	[dreg:$0x0] =	wrdreg $0x60  }
0xae: {  	[dreg:$0x2] =	wrdreg s24  }
0xaf: {  	[dreg:$0x3] =	wrdreg s2  }
0xb0: {  	[dreg:$0x4] =	wrdreg $0x1D0000  }
0xb1: {  	[dreg:$0x5] =	wrdreg $0x9  }
0xb2: {  	_ =	task.clear_ibuf [dreg:s7], $0x6FFFF;
	_ =	strace $0x90000046  }
0xb3: {  	s29 =	simm.s32 $0x9;
	_ =	strace $0x80000048  }
0xb4: {  	_ =	swait.ge [sflag:s29], $0x1  }
0xb5: {  	[sflag:s29] =	ssyncadd.s32 $0xFFFFFFFF  }
0xb6: {  	_ =	strace $0x90000048  }
0xb7: {  	_ =	sfence  }
0xb8: {  	s30 =	sld [smem:$0x0];
	_ =	sdelay $0x2  }
0xb9: {  	s31 =	sshll.u32 s1, $0xD;
	s1 =	sshrl.u32 s1, $0x2  }
0xba: {  	s3 =	sand.u32 $0x4000, s31;
	s1 =	sadd.s32 s1, s30  }
0xbb: {  	s0 =	sor.u32 s3, s0;
	s1 =	sshll.u32 s1, $0x11  }
0xbc: {  	s0 =	sor.u32 s1, s0  }
0xbd: {  	s0 =	sadd.s32 $0x8F2B, s0  }
0xbe: {  	[sflag:s0] =	ssyncadd.remote.s32 $0x1  }
0xbf: {  	_ =	sfence.sel $0xFFFF  }
0xc0: {  	[dreg:$0x0] =	wrdreg $0xFFFFFFFF;
	(pc) =	sbr.abs _section_cstart, $3  }
0xc1: {  	[dreg:$0x1] =	wrdreg $0xFFFFFFFF  }
0xc2: {  	_ =	task.clear_ibuf [dreg:s7], $0x2FFFF;
	_ =	strace $0x9FFFFFFF  }
0xc3: {  	(tm) =	ssettm $0x7FFFFFFF  }
tec
execute0_lowered:
.L_overlay_start_1:
0x0: {  	(tag) =	ssettag $0x1  }
0x1: {  	s4 =	rddreg [dreg:$0x0]  }
0x2: {  	s5 =	rddreg [dreg:$0x1]  }
0x3: {  	s1 =	rddreg [dreg:$0x2];
	s3 =	srdreg.scid  }
0x4: {  	s2 =	simm.s32 $0x0;
	s7 =	stileid.u32;
	s13 =	simm.s32 $0x80  }
0x5: {  	s14 =	simm.s32 $0x13400;
	s15 =	simm.s32 $0x1;
	s17 =	simm.s32 $0x100  }
0x6: {  	s18 =	simm.s32 $0x16800;
	s19 =	simm.s32 $0x180;
	s20 =	simm.s32 $0x19C00  }
0x7: {  	s21 =	simm.s32 $0x2;
	s23 =	simm.s32 $0x3;
	s24 =	simm.s32 $0x200  }
0x8: {  	s28 =	simm.s32 $0x0;
	s6 =	sand.u32 $0x1, s3;
	[smem:$0x7FF] =	sst s2  }
0x9: {  	s25 =	sshll.u32 s7, $0xA;
	s3 =	sadd.s32 $0x1400, s4;
	s11 =	sadd.s32 $0x1800, s4  }
0xa: {  	s12 =	smul.u32 $0x1A0000, s7;
	p0 =	sne.s32 s7, $0x0;
	s8 =	sshll.u32 s6, $0x9  }
0xb: {  	_ =	strace $0x80000047;
	s9 =	ssub.s32 $0x2, s6;
	s30 =	smul.u32 $0xD0000, s6  }
0xc: {  	s8 =	sor.u32 s8, s25;
	s26 =	sshrl.u32 s9, $0x1;
	s31 =	sadd.s32 s12, s11  }
0xd: {  	s12 =	simm.s32 $0x10000;
	s25 =	simm.s32 $0x280;
	s10 =	smul.u32 $0x680, s8  }
.Ltmp0:
0xe: {  	s9 =	ssub.s32 s9, s26;
	s29 =	sshll.u32 s8, $0x4;
	(pc) =	sbr.rel .LBB2_1-.Ltmp0, $4  }
0xf: {  	s8 =	sadd.s32 s30, s31;
	s26 =	simm.s32 $0x4;
	s4 =	sadd.s32 s5, s29  }
0x10: {  	s5 =	smax.u32 s9, $0x1;
	s8 =	sadd.s32 $0x1A00, s8;
	s6 =	sadd.s32 s11, s10  }
0x11: {  	s9 =	sshrl.u32 @!p0 s1, $0x3;
	s10 =	simm.s32 $0x5;
	s7 =	sadd.s32 $0xD00, s6  }
0x12: {  	s11 =	simm.s32 $0x64;
	s16 =	sadd.s32 $0x680, s6;
	s22 =	sadd.s32 $0x680, s7  }
.LBB2_4:
0x13: {  	s28 =	sadd.s32 $0x1, s28  }
0x14: {  	p1 =	sne.s32 s28, s5  }
.Ltmp1:
0x15: {  	_ = 	snop;
	(pc) =	sbr.rel @!p1 .LBB2_5-.Ltmp1, $4  }
0x16: {  	_ = 	snop  }
0x17: {  	_ =	swait.ge [sflag:s26], $0x6400  }
0x18: {  	[sflag:s26] =	ssyncset.done $0x0  }
0x19: {  	[sflag:s26] =	ssyncadd.s32 $0xFFFF9C00  }
.LBB2_1:
0x1a: {  	s29 =	simm.s32 @!p0 $0x1C05  }
0x1b: {  	[spmem:s9], [sflag:s29] =	dma.local @!p0 [hbm:s3], $0x310  }
0x1c: {  	s29 =	simm.s32 @!p0 $0x5  }
0x1d: {  	_ =	swait.ge @!p0 [sflag:s29], $0x310  }
0x1e: {  	[sflag:s29] =	ssyncset.done @!p0 $0x0  }
0x1f: {  	[sflag:s29] =	ssyncadd.s32 @!p0 $0xFFFFFCF0  }
0x20: {  	[tilespmem:s2], [sflag:$0x5] =	stream.linear.gather [hbm4b:s4+s2], $0x10000, $0x38;
	[tilespmem:$0x1D188] =	vst v63  }
0x21: {  	_ =	swait.ge [sflag:s10], $0x10000  }
0x22: {  	[sflag:s10] =	ssyncset.done $0x0  }
0x23: {  	[sflag:s10] =	ssyncadd.s32 $0xFFFF0000  }
0x24: {  	[bflag:$0x0] =	sbarrier.arrive $0xFFFF  }
0x25: {  	[tilespmem:s12], [sflag:$0x1] =	stream.indirect.gather [spmem:s1], $0x80, s2, s11, $0xb8;
	[tilespmem:$0x1D188] =	vst v63  }
0x26: {  	_ = 	snop  }
0x27: {  	[tilespmem:s14], [sflag:$0x1] =	stream.indirect.gather [spmem:s1], $0x80, s13, s11, $0xb8;
	[tilespmem:$0x1D188] =	vst v63  }
0x28: {  	_ =	swait.ge [sflag:s15], $0x3200  }
0x29: {  	[sflag:s15] =	ssyncset.done $0x0  }
0x2a: {  	[sflag:s15] =	ssyncadd.s32 $0xFFFFCE00  }
0x2b: {  	_ =	swait.ge [sflag:s15], $0x3200  }
0x2c: {  	[sflag:s15] =	ssyncset.done $0x0  }
0x2d: {  	[sflag:s15] =	ssyncadd.s32 $0xFFFFCE00  }
0x2e: {  	[hbm4b:s6+s2] =	stream.linear.scatter [tilespmem:s12], [sflag:$0x3], $0x3200, $0x38;
	[tilespmem:$0x1D188] =	vst v63  }
0x2f: {  	_ = 	snop  }
0x30: {  	[hbm4b:s16+s2] =	stream.linear.scatter [tilespmem:s14], [sflag:$0x3], $0x3200, $0x38;
	[tilespmem:$0x1D188] =	vst v63  }
0x31: {  	_ = 	snop  }
0x32: {  	[tilespmem:s18], [sflag:$0x2] =	stream.indirect.gather [spmem:s1], $0x80, s17, s11, $0xb8;
	[tilespmem:$0x1D188] =	vst v63  }
0x33: {  	_ = 	snop  }
0x34: {  	[tilespmem:s20], [sflag:$0x2] =	stream.indirect.gather [spmem:s1], $0x80, s19, s11, $0xb8;
	[tilespmem:$0x1D188] =	vst v63  }
0x35: {  	_ =	swait.ge [sflag:s21], $0x3200  }
0x36: {  	[sflag:s21] =	ssyncset.done $0x0  }
0x37: {  	[sflag:s21] =	ssyncadd.s32 $0xFFFFCE00  }
0x38: {  	_ =	swait.ge [sflag:s21], $0x3200  }
0x39: {  	[sflag:s21] =	ssyncset.done $0x0  }
0x3a: {  	[sflag:s21] =	ssyncadd.s32 $0xFFFFCE00  }
0x3b: {  	[hbm4b:s7+s2] =	stream.linear.scatter [tilespmem:s18], [sflag:$0x4], $0x3200, $0x38;
	[tilespmem:$0x1D188] =	vst v63  }
0x3c: {  	_ = 	snop  }
0x3d: {  	[hbm4b:s22+s2] =	stream.linear.scatter [tilespmem:s20], [sflag:$0x4], $0x3200, $0x38;
	[tilespmem:$0x1D188] =	vst v63  }
0x3e: {  	_ =	swait.ge [sflag:s23], $0x6400  }
0x3f: {  	[sflag:s23] =	ssyncset.done $0x0  }
0x40: {  	[sflag:s23] =	ssyncadd.s32 $0xFFFF9C00  }
0x41: {  	[tilespmem:s12], [sflag:$0x1] =	stream.indirect.gather [spmem:s1], $0x80, s24, s11, $0xb8;
	[tilespmem:$0x1D188] =	vst v63  }
0x42: {  	s30 =	simm.s32 $0x0;
	s29 =	smov.u32 s8  }
0x43: {  	[tilespmem:s14], [sflag:$0x1] =	stream.indirect.gather [spmem:s1], $0x80, s25, s11, $0xb8;
	[tilespmem:$0x1D188] =	vst v63  }
.LBB2_2:
0x44: {  	_ =	swait.ge [sflag:s15], $0x3200  }
0x45: {  	[sflag:s15] =	ssyncset.done $0x0  }
0x46: {  	[sflag:s15] =	ssyncadd.s32 $0xFFFFCE00  }
0x47: {  	_ =	swait.ge [sflag:s15], $0x3200  }
0x48: {  	[sflag:s15] =	ssyncset.done $0x0  }
0x49: {  	[sflag:s15] =	ssyncadd.s32 $0xFFFFCE00  }
0x4a: {  	[hbm4b:s29+s2] =	stream.linear.scatter [tilespmem:s12], [sflag:$0x3], $0x3200, $0x38;
	[tilespmem:$0x1D188] =	vst v63  }
0x4b: {  	s31 =	sadd.s32 $0x680, s29  }
0x4c: {  	[hbm4b:s31+s2] =	stream.linear.scatter [tilespmem:s14], [sflag:$0x3], $0x3200, $0x38;
	[tilespmem:$0x1D188] =	vst v63  }
0x4d: {  	_ =	swait.ge [sflag:s26], $0x6400  }
0x4e: {  	s31 =	sshra.s32 s30, $0x2;
	[sflag:s26] =	ssyncset.done $0x0  }
0x4f: {  	s0 =	sadd.s32 $0x300, s31;
	[sflag:s26] =	ssyncadd.s32 $0xFFFF9C00  }
0x50: {  	[tilespmem:s18], [sflag:$0x2] =	stream.indirect.gather [spmem:s1], $0x80, s0, s11, $0xb8;
	[tilespmem:$0x1D188] =	vst v63  }
0x51: {  	s0 =	sadd.s32 $0x380, s31  }
0x52: {  	[tilespmem:s20], [sflag:$0x2] =	stream.indirect.gather [spmem:s1], $0x80, s0, s11, $0xb8;
	[tilespmem:$0x1D188] =	vst v63  }
0x53: {  	_ =	swait.ge [sflag:s21], $0x3200  }
0x54: {  	[sflag:s21] =	ssyncset.done $0x0  }
0x55: {  	[sflag:s21] =	ssyncadd.s32 $0xFFFFCE00  }
0x56: {  	_ =	swait.ge [sflag:s21], $0x3200  }
0x57: {  	[sflag:s21] =	ssyncset.done $0x0  }
0x58: {  	p1 =	seq.s32 s30, $0x3F000;
	s0 =	sadd.s32 $0xD00, s29;
	[sflag:s21] =	ssyncadd.s32 $0xFFFFCE00  }
0x59: {  	[hbm4b:s0+s2] =	stream.linear.scatter [tilespmem:s18], [sflag:$0x4], $0x3200, $0x38;
	[tilespmem:$0x1D188] =	vst v63  }
.Ltmp2:
0x5a: {  	s0 =	sadd.s32 $0x1380, s29;
	(pc) =	sbr.rel @p1 .LBB2_4-.Ltmp2, $4  }
0x5b: {  	[hbm4b:s0+s2] =	stream.linear.scatter [tilespmem:s20], [sflag:$0x4], $0x3200, $0x38;
	[tilespmem:$0x1D188] =	vst v63  }
0x5c: {  	_ =	swait.ge [sflag:s23], $0x6400  }
0x5d: {  	[sflag:s23] =	ssyncset.done $0x0  }
0x5e: {  	[sflag:s23] =	ssyncadd.s32 $0xFFFF9C00  }
.Ltmp3:
0x5f: {  	(pc) =	sbr.rel .LBB2_2-.Ltmp3, $4  }
0x60: {  	s0 =	sadd.s32 $0x400, s31  }
0x61: {  	[tilespmem:s12], [sflag:$0x1] =	stream.indirect.gather [spmem:s1], $0x80, s0, s11, $0xb8;
	[tilespmem:$0x1D188] =	vst v63  }
0x62: {  	s31 =	sadd.s32 $0x480, s31;
	s30 =	sadd.s32 $0x800, s30;
	s29 =	sadd.s32 $0x1A00, s29  }
0x63: {  	[tilespmem:s14], [sflag:$0x1] =	stream.indirect.gather [spmem:s1], $0x80, s31, s11, $0xb8;
	[tilespmem:$0x1D188] =	vst v63  }
.LBB2_5:
0x64: {  	_ =	sfence.sel $0x180000  }
0x65: {  	[bflag:$0x0] =	sbarrier.arrive $0xFFFF  }
0x66: {  	_ =	strace $0x90000047  }
0x67: {  	[bflag:$0x2] =	sbarrier.arrive $0xFFFF  }
0x68: {  	s0 =	rddreg [dreg:$0x3]  }
0x69: {  	s0 =	sadd.s32 @!p0 $0x100000, s0  }
0x6a: {  	[sflag:s0] =	ssyncadd.tile.s32 @!p0 $0x1;
	_ =	shalt  }
.Lfunc_end2:
_tile_overlayer_lowered:
.L_overlay_start_2:
0x6b: {  	(tag) =	ssettag $0x2  }
0x6c: {  	s0 =	rddreg [dreg:$0x0];
	s2 =	stileid.u32  }
0x6d: {  	s1 =	rddreg [dreg:$0x1];
	p0 =	sne.s32 s2, $0x0  }
0x6e: {  	s3 =	rddreg [dreg:$0x2];
	[bflag:$0x3] =	sbarrier.arrive $0xFFFF;
	s2 =	simm.s32 @!p0 $0x1C05  }
0x6f: {  	[timem:s3], [sflag:s2] =	dma.local @!p0 [hbm:s0], s1  }
0x70: {  	s0 =	simm.s32 @!p0 $0x5  }
0x71: {  	_ =	swait.ge @!p0 [sflag:s0], s1  }
0x72: {  	s1 =	ssub.s32 @!p0 $0x0, s1;
	[sflag:s0] =	ssyncset.done @!p0 $0x0  }
0x73: {  	[sflag:s0] =	ssyncadd.s32 @!p0 s1  }
0x74: {  	[bflag:$0x3] =	sbarrier.arrive $0xFFFF  }
0x75: {  	_ =	shalt  }

</sc_bundles>
